<compile_context>
chip_gen: v7x
topology: tpu7x:2x2x1
jax: 0.10.2.dev20260603
libtpu: 0.0.44.dev20260713+nightly
codegen_flags: <defaults>
</compile_context>

<pallas_src>
import jax
import jax.numpy as jnp
from jax import lax
from jax.experimental import pallas as pl
from jax.experimental.pallas import tpu as pltpu
from jax.experimental.pallas import tpu_sc as plsc

_VOCAB = 1000000
_EMBED = 50
_LANE = 128
_WINDOW = 5
_HIDDEN = 100
_TAGS = 46
_BATCH = 16384

_NIDX = _BATCH * _WINDOW
_NC = 2
_NS = 16
_NW = _NC * _NS
_ROWS_W = _NIDX // _NW
_CHUNK = 320
_NCHUNKS = _ROWS_W // _CHUNK

_PAD_ROWS = 16384


def _pad_body(et_ref, out_ref):
    t = jnp.transpose(et_ref[...], (1, 0))
    out_ref[:, 0:_EMBED] = t
    out_ref[:, _EMBED:_LANE] = jnp.zeros(
        (_PAD_ROWS, _LANE - _EMBED), jnp.float32)


def _tc_pad(et):
    return pl.pallas_call(
        _pad_body,
        grid=(pl.cdiv(_VOCAB, _PAD_ROWS),),
        in_specs=[pl.BlockSpec((_EMBED, _PAD_ROWS), lambda i: (0, i))],
        out_specs=pl.BlockSpec((_PAD_ROWS, _LANE), lambda i: (i, 0)),
        out_shape=jax.ShapeDtypeStruct((_VOCAB, _LANE), jnp.float32),
    )(et)


def _sc_gather_body(table, idxs, out, idx_v, rows0, rows1, sem0, sem1):
    c = lax.axis_index("c")
    s = lax.axis_index("s")
    wid = s * _NC + c
    base = wid * _ROWS_W
    pltpu.sync_copy(idxs.at[pl.ds(base, _ROWS_W)], idx_v)
    bufs = (rows0, rows1)
    sems = (sem0, sem1)
    copies = [None, None]
    copies[0] = pltpu.async_copy(
        table.at[idx_v.at[pl.ds(0, _CHUNK)]], bufs[0], sems[0])
    for j in range(_NCHUNKS):
        cur = j % 2
        nxt = (j + 1) % 2
        if j + 1 < _NCHUNKS:
            copies[nxt] = pltpu.async_copy(
                table.at[idx_v.at[pl.ds((j + 1) * _CHUNK, _CHUNK)]],
                bufs[nxt], sems[nxt])
        copies[cur].wait()
        pltpu.sync_copy(bufs[cur], out.at[pl.ds(base + j * _CHUNK, _CHUNK)])


_sc_gather = pl.kernel(
    _sc_gather_body,
    out_type=jax.ShapeDtypeStruct((_NIDX, _LANE), jnp.float32),
    scratch_types=[
        pltpu.VMEM((_ROWS_W,), jnp.int32),
        pltpu.VMEM((_CHUNK, _LANE), jnp.float32),
        pltpu.VMEM((_CHUNK, _LANE), jnp.float32),
        pltpu.SemaphoreType.DMA,
        pltpu.SemaphoreType.DMA,
    ],
    mesh=plsc.VectorSubcoreMesh(core_axis_name="c", subcore_axis_name="s"),
    compiler_params=pltpu.CompilerParams(use_tc_tiling_on_sc=True),
)


_BS = 2048


def _mlp_body(h_ref, w0_ref, b0_ref, w1_ref, b1_ref, out_ref):
    h = jnp.dot(h_ref[0], w0_ref[0], preferred_element_type=jnp.float32)
    for w in range(1, _WINDOW):
        h = h + jnp.dot(h_ref[w], w0_ref[w],
                        preferred_element_type=jnp.float32)
    h = jnp.tanh(h + b0_ref[...])
    logits = jnp.dot(h, w1_ref[...], preferred_element_type=jnp.float32)
    logits = logits + b1_ref[...]
    m = jnp.max(logits, axis=1, keepdims=True)
    sh = logits - m
    out_ref[...] = sh - jnp.log(jnp.sum(jnp.exp(sh), axis=1, keepdims=True))


def _tc_mlp(h5, w05, b0, w1, b1):
    return pl.pallas_call(
        _mlp_body,
        grid=(_BATCH // _BS,),
        in_specs=[
            pl.BlockSpec((_WINDOW, _BS, _LANE), lambda i: (0, i, 0)),
            pl.BlockSpec((_WINDOW, _LANE, _HIDDEN), lambda i: (0, 0, 0)),
            pl.BlockSpec((1, _HIDDEN), lambda i: (0, 0)),
            pl.BlockSpec((_HIDDEN, _TAGS), lambda i: (0, 0)),
            pl.BlockSpec((1, _TAGS), lambda i: (0, 0)),
        ],
        out_specs=pl.BlockSpec((_BS, _TAGS), lambda i: (i, 0)),
        out_shape=jax.ShapeDtypeStruct((_BATCH, _TAGS), jnp.float32),
    )(h5, w05, b0, w1, b1)


def kernel(x, E, W0, b0, W1, b1):
    idx = jnp.asarray(x, jnp.int32).T.reshape(-1)
    Ep = _tc_pad(E.T)
    W0p = jnp.pad(W0.reshape(_WINDOW, _EMBED, _HIDDEN),
                  ((0, 0), (0, _LANE - _EMBED), (0, 0)))
    emb = _sc_gather(Ep, idx)
    h5 = emb.reshape(_WINDOW, _BATCH, _LANE)
    return _tc_mlp(h5, W0p, b0.reshape(1, _HIDDEN), W1, b1.reshape(1, _TAGS))

# --- scband reference (transcript-rebuilt; emitter-appended) ---
"""Pipeline reference for scband-net-74947179316002 (READ-ONLY COPY).

The authoritative reference and input builder live on the scoring server;
editing this copy changes nothing except your own understanding.
"""

import jax, jax.numpy as jnp
import numpy as np

VOCAB = 1000000
EMBED = 50
WINDOW = 5
HIDDEN = 100
TAGS = 46
BATCH = 16384

def setup_inputs(seed: int = 0) -> dict:
    key = jax.random.key(seed)
    k1, k2, k3, k4, k5 = jax.random.split(key, 5)
    x = jax.random.randint(k1, (BATCH, WINDOW), 0, VOCAB, dtype=jnp.int64)
    E = jax.random.normal(k2, (VOCAB, EMBED), dtype=jnp.float32) * 0.02
    W0 = jax.random.normal(k3, (WINDOW * EMBED, HIDDEN), dtype=jnp.float32) * 0.05
    b0 = jnp.zeros((HIDDEN,), dtype=jnp.float32)
    W1 = jax.random.normal(k4, (HIDDEN, TAGS), dtype=jnp.float32) * 0.05
    b1 = jnp.zeros((TAGS,), dtype=jnp.float32)
    return {"x": x, "E": E, "W0": W0, "b0": b0, "W1": W1, "b1": b1}

def reference(x, E, W0, b0, W1, b1):
    # Embedding lookup: gather rows of E by window indices
    emb = jnp.take(E, x, axis=0)                     # [B, WINDOW, EMBED]
    h = emb.reshape(-1, WINDOW * EMBED)              # [B, 250]
    h = jnp.tanh(h @ W0 + b0)                        # [B, 100]
    logits = h @ W1 + b1                             # [B, TAGS]
    return jax.nn.log_softmax(logits, axis=1)

if __name__ == "__main__":
    import jax
    _d = setup_inputs()
    print(jax.jit(kernel)(*tuple(_d.values())))

</pallas_src>

<mosaic_0001>
#map = affine_map<(d0, d1) -> (0, 0)>
#map1 = affine_map<(d0, d1) -> (0)>
module attributes {stable_mosaic.version = 14 : i64} {
  func.func @_sc_gather_body(%arg0: i32, %arg1: i32, %arg2: memref<1000000x128xf32, #tpu.memory_space<hbm>>, %arg3: memref<81920xi32, #tpu.memory_space<hbm>>, %arg4: memref<81920x128xf32, #tpu.memory_space<hbm>>, %arg5: memref<2560xi32, #tpu.memory_space<vmem>>, %arg6: memref<320x128xf32, #tpu.memory_space<vmem>>, %arg7: memref<320x128xf32, #tpu.memory_space<vmem>>, %arg8: memref<!tpu.dma_semaphore, #tpu.memory_space<semaphore_mem>>, %arg9: memref<!tpu.dma_semaphore, #tpu.memory_space<semaphore_mem>>) attributes {dimension_semantics = [#tpu.dimension_semantics<core_parallel>, #tpu.dimension_semantics<subcore_parallel>], iteration_bounds = array<i64: 2, 16>, scalar_prefetch = 0 : i64, scratch_operands = 5 : i64, tpu.core_type = #tpu.core_type<sc_vector_subcore>, window_params = [{transform_indices = #map}, {transform_indices = #map1}, {transform_indices = #map}]} {
    %mul3A = arith.constant 2 : i32
    %mul3A_0 = arith.muli %arg1, %mul3A : i32
    %add3A = arith.addi %mul3A_0, %arg0 : i32
    %mul3A_1 = arith.constant 2560 : i32
    %mul3A_2 = arith.muli %add3A, %mul3A_1 : i32
    "tpu.region"() ({
      %run_scoped3A = tpu.sem_alloc : memref<!tpu.dma_semaphore, #tpu.memory_space<semaphore_mem>>
      %dma_start3A_97 = tpu.memref_slice %arg3[%mul3A_2] : memref<81920xi32, #tpu.memory_space<hbm>> -> memref<2560xi32, #tpu.memory_space<hbm>>
      %dma_start3A_98 = tpu.memref_slice %arg3[%mul3A_2] : memref<81920xi32, #tpu.memory_space<hbm>> -> memref<2560xi32, #tpu.memory_space<hbm>>
      tpu.enqueue_dma source(%dma_start3A_98 : memref<2560xi32, #tpu.memory_space<hbm>>) target(%arg5 : memref<2560xi32, #tpu.memory_space<vmem>>) target_semaphore(%run_scoped3A : memref<!tpu.dma_semaphore, #tpu.memory_space<semaphore_mem>>)
      %dma_wait3A_99 = tpu.memref_slice %arg3[%mul3A_2] : memref<81920xi32, #tpu.memory_space<hbm>> -> memref<2560xi32, #tpu.memory_space<hbm>>
      %dma_wait3A_100 = tpu.memref_slice %arg3[%mul3A_2] : memref<81920xi32, #tpu.memory_space<hbm>> -> memref<2560xi32, #tpu.memory_space<hbm>>
      tpu.wait_dma2 semaphore(%run_scoped3A : memref<!tpu.dma_semaphore, #tpu.memory_space<semaphore_mem>>) src(%dma_wait3A_100 : memref<2560xi32, #tpu.memory_space<hbm>>) dst(%arg5 : memref<2560xi32, #tpu.memory_space<vmem>>)
      tpu.yield
    }) : () -> ()
    %dma_start3A = arith.constant 0 : i32
    %dma_start3A_3 = tpu.memref_slice %arg5[%dma_start3A] : memref<2560xi32, #tpu.memory_space<vmem>> -> memref<320xi32, #tpu.memory_space<vmem>>
    %dma_start3A_4 = arith.constant 0 : i32
    %dma_start3A_5 = arith.constant 0 : i32
    %dma_start3A_6 = tpu.memref_slice %arg2[%dma_start3A_4, %dma_start3A_5] : memref<1000000x128xf32, #tpu.memory_space<hbm>> -> memref<1000000x128xf32, #tpu.memory_space<hbm>>
    tpu.enqueue_indirect_dma source(%dma_start3A_6 : memref<1000000x128xf32, #tpu.memory_space<hbm>>) target(%arg6 : memref<320x128xf32, #tpu.memory_space<vmem>>) offsets(%dma_start3A_3 : memref<320xi32, #tpu.memory_space<vmem>>) semaphore(%arg8 : memref<!tpu.dma_semaphore, #tpu.memory_space<semaphore_mem>>)
    %dma_start3A_7 = arith.constant 320 : i32
    %dma_start3A_8 = tpu.memref_slice %arg5[%dma_start3A_7] : memref<2560xi32, #tpu.memory_space<vmem>> -> memref<320xi32, #tpu.memory_space<vmem>>
    %dma_start3A_9 = arith.constant 0 : i32
    %dma_start3A_10 = arith.constant 0 : i32
    %dma_start3A_11 = tpu.memref_slice %arg2[%dma_start3A_9, %dma_start3A_10] : memref<1000000x128xf32, #tpu.memory_space<hbm>> -> memref<1000000x128xf32, #tpu.memory_space<hbm>>
    tpu.enqueue_indirect_dma source(%dma_start3A_11 : memref<1000000x128xf32, #tpu.memory_space<hbm>>) target(%arg7 : memref<320x128xf32, #tpu.memory_space<vmem>>) offsets(%dma_start3A_8 : memref<320xi32, #tpu.memory_space<vmem>>) semaphore(%arg9 : memref<!tpu.dma_semaphore, #tpu.memory_space<semaphore_mem>>)
    %dma_wait3A = arith.constant 0 : i32
    %dma_wait3A_12 = tpu.memref_slice %arg5[%dma_wait3A] : memref<2560xi32, #tpu.memory_space<vmem>> -> memref<320xi32, #tpu.memory_space<vmem>>
    %dma_wait3A_13 = arith.constant 0 : i32
    %dma_wait3A_14 = arith.constant 0 : i32
    %dma_wait3A_15 = tpu.memref_slice %arg2[%dma_wait3A_13, %dma_wait3A_14] : memref<1000000x128xf32, #tpu.memory_space<hbm>> -> memref<1000000x128xf32, #tpu.memory_space<hbm>>
    tpu.wait_indirect_dma semaphore(%arg8 : memref<!tpu.dma_semaphore, #tpu.memory_space<semaphore_mem>>) src(%dma_wait3A_15 : memref<1000000x128xf32, #tpu.memory_space<hbm>>) dst(%arg6 : memref<320x128xf32, #tpu.memory_space<vmem>>)
    %add3A_16 = arith.constant 0 : i32
    %add3A_17 = arith.addi %mul3A_2, %add3A_16 : i32
    "tpu.region"() ({
      %run_scoped3A = tpu.sem_alloc : memref<!tpu.dma_semaphore, #tpu.memory_space<semaphore_mem>>
      %dma_start3A_97 = arith.constant 0 : i32
      %dma_start3A_98 = tpu.memref_slice %arg4[%add3A_17, %dma_start3A_97] : memref<81920x128xf32, #tpu.memory_space<hbm>> -> memref<320x128xf32, #tpu.memory_space<hbm>>
      %dma_start3A_99 = arith.constant 0 : i32
      %dma_start3A_100 = tpu.memref_slice %arg4[%add3A_17, %dma_start3A_99] : memref<81920x128xf32, #tpu.memory_space<hbm>> -> memref<320x128xf32, #tpu.memory_space<hbm>>
      tpu.enqueue_dma source(%arg6 : memref<320x128xf32, #tpu.memory_space<vmem>>) target(%dma_start3A_100 : memref<320x128xf32, #tpu.memory_space<hbm>>) target_semaphore(%run_scoped3A : memref<!tpu.dma_semaphore, #tpu.memory_space<semaphore_mem>>)
      %dma_wait3A_101 = arith.constant 0 : i32
      %dma_wait3A_102 = tpu.memref_slice %arg4[%add3A_17, %dma_wait3A_101] : memref<81920x128xf32, #tpu.memory_space<hbm>> -> memref<320x128xf32, #tpu.memory_space<hbm>>
      %dma_wait3A_103 = arith.constant 0 : i32
      %dma_wait3A_104 = tpu.memref_slice %arg4[%add3A_17, %dma_wait3A_103] : memref<81920x128xf32, #tpu.memory_space<hbm>> -> memref<320x128xf32, #tpu.memory_space<hbm>>
      tpu.wait_dma2 semaphore(%run_scoped3A : memref<!tpu.dma_semaphore, #tpu.memory_space<semaphore_mem>>) src(%arg6 : memref<320x128xf32, #tpu.memory_space<vmem>>) dst(%dma_wait3A_104 : memref<320x128xf32, #tpu.memory_space<hbm>>)
      tpu.yield
    }) : () -> ()
    %dma_start3A_18 = arith.constant 640 : i32
    %dma_start3A_19 = tpu.memref_slice %arg5[%dma_start3A_18] : memref<2560xi32, #tpu.memory_space<vmem>> -> memref<320xi32, #tpu.memory_space<vmem>>
    %dma_start3A_20 = arith.constant 0 : i32
    %dma_start3A_21 = arith.constant 0 : i32
    %dma_start3A_22 = tpu.memref_slice %arg2[%dma_start3A_20, %dma_start3A_21] : memref<1000000x128xf32, #tpu.memory_space<hbm>> -> memref<1000000x128xf32, #tpu.memory_space<hbm>>
    tpu.enqueue_indirect_dma source(%dma_start3A_22 : memref<1000000x128xf32, #tpu.memory_space<hbm>>) target(%arg6 : memref<320x128xf32, #tpu.memory_space<vmem>>) offsets(%dma_start3A_19 : memref<320xi32, #tpu.memory_space<vmem>>) semaphore(%arg8 : memref<!tpu.dma_semaphore, #tpu.memory_space<semaphore_mem>>)
    %dma_wait3A_23 = arith.constant 320 : i32
    %dma_wait3A_24 = tpu.memref_slice %arg5[%dma_wait3A_23] : memref<2560xi32, #tpu.memory_space<vmem>> -> memref<320xi32, #tpu.memory_space<vmem>>
    %dma_wait3A_25 = arith.constant 0 : i32
    %dma_wait3A_26 = arith.constant 0 : i32
    %dma_wait3A_27 = tpu.memref_slice %arg2[%dma_wait3A_25, %dma_wait3A_26] : memref<1000000x128xf32, #tpu.memory_space<hbm>> -> memref<1000000x128xf32, #tpu.memory_space<hbm>>
    tpu.wait_indirect_dma semaphore(%arg9 : memref<!tpu.dma_semaphore, #tpu.memory_space<semaphore_mem>>) src(%dma_wait3A_27 : memref<1000000x128xf32, #tpu.memory_space<hbm>>) dst(%arg7 : memref<320x128xf32, #tpu.memory_space<vmem>>)
    %add3A_28 = arith.constant 320 : i32
    %add3A_29 = arith.addi %mul3A_2, %add3A_28 : i32
    "tpu.region"() ({
      %run_scoped3A = tpu.sem_alloc : memref<!tpu.dma_semaphore, #tpu.memory_space<semaphore_mem>>
      %dma_start3A_97 = arith.constant 0 : i32
      %dma_start3A_98 = tpu.memref_slice %arg4[%add3A_29, %dma_start3A_97] : memref<81920x128xf32, #tpu.memory_space<hbm>> -> memref<320x128xf32, #tpu.memory_space<hbm>>
      %dma_start3A_99 = arith.constant 0 : i32
      %dma_start3A_100 = tpu.memref_slice %arg4[%add3A_29, %dma_start3A_99] : memref<81920x128xf32, #tpu.memory_space<hbm>> -> memref<320x128xf32, #tpu.memory_space<hbm>>
      tpu.enqueue_dma source(%arg7 : memref<320x128xf32, #tpu.memory_space<vmem>>) target(%dma_start3A_100 : memref<320x128xf32, #tpu.memory_space<hbm>>) target_semaphore(%run_scoped3A : memref<!tpu.dma_semaphore, #tpu.memory_space<semaphore_mem>>)
      %dma_wait3A_101 = arith.constant 0 : i32
      %dma_wait3A_102 = tpu.memref_slice %arg4[%add3A_29, %dma_wait3A_101] : memref<81920x128xf32, #tpu.memory_space<hbm>> -> memref<320x128xf32, #tpu.memory_space<hbm>>
      %dma_wait3A_103 = arith.constant 0 : i32
      %dma_wait3A_104 = tpu.memref_slice %arg4[%add3A_29, %dma_wait3A_103] : memref<81920x128xf32, #tpu.memory_space<hbm>> -> memref<320x128xf32, #tpu.memory_space<hbm>>
      tpu.wait_dma2 semaphore(%run_scoped3A : memref<!tpu.dma_semaphore, #tpu.memory_space<semaphore_mem>>) src(%arg7 : memref<320x128xf32, #tpu.memory_space<vmem>>) dst(%dma_wait3A_104 : memref<320x128xf32, #tpu.memory_space<hbm>>)
      tpu.yield
    }) : () -> ()
    %dma_start3A_30 = arith.constant 960 : i32
    %dma_start3A_31 = tpu.memref_slice %arg5[%dma_start3A_30] : memref<2560xi32, #tpu.memory_space<vmem>> -> memref<320xi32, #tpu.memory_space<vmem>>
    %dma_start3A_32 = arith.constant 0 : i32
    %dma_start3A_33 = arith.constant 0 : i32
    %dma_start3A_34 = tpu.memref_slice %arg2[%dma_start3A_32, %dma_start3A_33] : memref<1000000x128xf32, #tpu.memory_space<hbm>> -> memref<1000000x128xf32, #tpu.memory_space<hbm>>
    tpu.enqueue_indirect_dma source(%dma_start3A_34 : memref<1000000x128xf32, #tpu.memory_space<hbm>>) target(%arg7 : memref<320x128xf32, #tpu.memory_space<vmem>>) offsets(%dma_start3A_31 : memref<320xi32, #tpu.memory_space<vmem>>) semaphore(%arg9 : memref<!tpu.dma_semaphore, #tpu.memory_space<semaphore_mem>>)
    %dma_wait3A_35 = arith.constant 640 : i32
    %dma_wait3A_36 = tpu.memref_slice %arg5[%dma_wait3A_35] : memref<2560xi32, #tpu.memory_space<vmem>> -> memref<320xi32, #tpu.memory_space<vmem>>
    %dma_wait3A_37 = arith.constant 0 : i32
    %dma_wait3A_38 = arith.constant 0 : i32
    %dma_wait3A_39 = tpu.memref_slice %arg2[%dma_wait3A_37, %dma_wait3A_38] : memref<1000000x128xf32, #tpu.memory_space<hbm>> -> memref<1000000x128xf32, #tpu.memory_space<hbm>>
    tpu.wait_indirect_dma semaphore(%arg8 : memref<!tpu.dma_semaphore, #tpu.memory_space<semaphore_mem>>) src(%dma_wait3A_39 : memref<1000000x128xf32, #tpu.memory_space<hbm>>) dst(%arg6 : memref<320x128xf32, #tpu.memory_space<vmem>>)
    %add3A_40 = arith.constant 640 : i32
    %add3A_41 = arith.addi %mul3A_2, %add3A_40 : i32
    "tpu.region"() ({
      %run_scoped3A = tpu.sem_alloc : memref<!tpu.dma_semaphore, #tpu.memory_space<semaphore_mem>>
      %dma_start3A_97 = arith.constant 0 : i32
      %dma_start3A_98 = tpu.memref_slice %arg4[%add3A_41, %dma_start3A_97] : memref<81920x128xf32, #tpu.memory_space<hbm>> -> memref<320x128xf32, #tpu.memory_space<hbm>>
      %dma_start3A_99 = arith.constant 0 : i32
      %dma_start3A_100 = tpu.memref_slice %arg4[%add3A_41, %dma_start3A_99] : memref<81920x128xf32, #tpu.memory_space<hbm>> -> memref<320x128xf32, #tpu.memory_space<hbm>>
      tpu.enqueue_dma source(%arg6 : memref<320x128xf32, #tpu.memory_space<vmem>>) target(%dma_start3A_100 : memref<320x128xf32, #tpu.memory_space<hbm>>) target_semaphore(%run_scoped3A : memref<!tpu.dma_semaphore, #tpu.memory_space<semaphore_mem>>)
      %dma_wait3A_101 = arith.constant 0 : i32
      %dma_wait3A_102 = tpu.memref_slice %arg4[%add3A_41, %dma_wait3A_101] : memref<81920x128xf32, #tpu.memory_space<hbm>> -> memref<320x128xf32, #tpu.memory_space<hbm>>
      %dma_wait3A_103 = arith.constant 0 : i32
      %dma_wait3A_104 = tpu.memref_slice %arg4[%add3A_41, %dma_wait3A_103] : memref<81920x128xf32, #tpu.memory_space<hbm>> -> memref<320x128xf32, #tpu.memory_space<hbm>>
      tpu.wait_dma2 semaphore(%run_scoped3A : memref<!tpu.dma_semaphore, #tpu.memory_space<semaphore_mem>>) src(%arg6 : memref<320x128xf32, #tpu.memory_space<vmem>>) dst(%dma_wait3A_104 : memref<320x128xf32, #tpu.memory_space<hbm>>)
      tpu.yield
    }) : () -> ()
    %dma_start3A_42 = arith.constant 1280 : i32
    %dma_start3A_43 = tpu.memref_slice %arg5[%dma_start3A_42] : memref<2560xi32, #tpu.memory_space<vmem>> -> memref<320xi32, #tpu.memory_space<vmem>>
    %dma_start3A_44 = arith.constant 0 : i32
    %dma_start3A_45 = arith.constant 0 : i32
    %dma_start3A_46 = tpu.memref_slice %arg2[%dma_start3A_44, %dma_start3A_45] : memref<1000000x128xf32, #tpu.memory_space<hbm>> -> memref<1000000x128xf32, #tpu.memory_space<hbm>>
    tpu.enqueue_indirect_dma source(%dma_start3A_46 : memref<1000000x128xf32, #tpu.memory_space<hbm>>) target(%arg6 : memref<320x128xf32, #tpu.memory_space<vmem>>) offsets(%dma_start3A_43 : memref<320xi32, #tpu.memory_space<vmem>>) semaphore(%arg8 : memref<!tpu.dma_semaphore, #tpu.memory_space<semaphore_mem>>)
    %dma_wait3A_47 = arith.constant 960 : i32
    %dma_wait3A_48 = tpu.memref_slice %arg5[%dma_wait3A_47] : memref<2560xi32, #tpu.memory_space<vmem>> -> memref<320xi32, #tpu.memory_space<vmem>>
    %dma_wait3A_49 = arith.constant 0 : i32
    %dma_wait3A_50 = arith.constant 0 : i32
    %dma_wait3A_51 = tpu.memref_slice %arg2[%dma_wait3A_49, %dma_wait3A_50] : memref<1000000x128xf32, #tpu.memory_space<hbm>> -> memref<1000000x128xf32, #tpu.memory_space<hbm>>
    tpu.wait_indirect_dma semaphore(%arg9 : memref<!tpu.dma_semaphore, #tpu.memory_space<semaphore_mem>>) src(%dma_wait3A_51 : memref<1000000x128xf32, #tpu.memory_space<hbm>>) dst(%arg7 : memref<320x128xf32, #tpu.memory_space<vmem>>)
    %add3A_52 = arith.constant 960 : i32
    %add3A_53 = arith.addi %mul3A_2, %add3A_52 : i32
    "tpu.region"() ({
      %run_scoped3A = tpu.sem_alloc : memref<!tpu.dma_semaphore, #tpu.memory_space<semaphore_mem>>
      %dma_start3A_97 = arith.constant 0 : i32
      %dma_start3A_98 = tpu.memref_slice %arg4[%add3A_53, %dma_start3A_97] : memref<81920x128xf32, #tpu.memory_space<hbm>> -> memref<320x128xf32, #tpu.memory_space<hbm>>
      %dma_start3A_99 = arith.constant 0 : i32
      %dma_start3A_100 = tpu.memref_slice %arg4[%add3A_53, %dma_start3A_99] : memref<81920x128xf32, #tpu.memory_space<hbm>> -> memref<320x128xf32, #tpu.memory_space<hbm>>
      tpu.enqueue_dma source(%arg7 : memref<320x128xf32, #tpu.memory_space<vmem>>) target(%dma_start3A_100 : memref<320x128xf32, #tpu.memory_space<hbm>>) target_semaphore(%run_scoped3A : memref<!tpu.dma_semaphore, #tpu.memory_space<semaphore_mem>>)
      %dma_wait3A_101 = arith.constant 0 : i32
      %dma_wait3A_102 = tpu.memref_slice %arg4[%add3A_53, %dma_wait3A_101] : memref<81920x128xf32, #tpu.memory_space<hbm>> -> memref<320x128xf32, #tpu.memory_space<hbm>>
      %dma_wait3A_103 = arith.constant 0 : i32
      %dma_wait3A_104 = tpu.memref_slice %arg4[%add3A_53, %dma_wait3A_103] : memref<81920x128xf32, #tpu.memory_space<hbm>> -> memref<320x128xf32, #tpu.memory_space<hbm>>
      tpu.wait_dma2 semaphore(%run_scoped3A : memref<!tpu.dma_semaphore, #tpu.memory_space<semaphore_mem>>) src(%arg7 : memref<320x128xf32, #tpu.memory_space<vmem>>) dst(%dma_wait3A_104 : memref<320x128xf32, #tpu.memory_space<hbm>>)
      tpu.yield
    }) : () -> ()
    %dma_start3A_54 = arith.constant 1600 : i32
    %dma_start3A_55 = tpu.memref_slice %arg5[%dma_start3A_54] : memref<2560xi32, #tpu.memory_space<vmem>> -> memref<320xi32, #tpu.memory_space<vmem>>
    %dma_start3A_56 = arith.constant 0 : i32
    %dma_start3A_57 = arith.constant 0 : i32
    %dma_start3A_58 = tpu.memref_slice %arg2[%dma_start3A_56, %dma_start3A_57] : memref<1000000x128xf32, #tpu.memory_space<hbm>> -> memref<1000000x128xf32, #tpu.memory_space<hbm>>
    tpu.enqueue_indirect_dma source(%dma_start3A_58 : memref<1000000x128xf32, #tpu.memory_space<hbm>>) target(%arg7 : memref<320x128xf32, #tpu.memory_space<vmem>>) offsets(%dma_start3A_55 : memref<320xi32, #tpu.memory_space<vmem>>) semaphore(%arg9 : memref<!tpu.dma_semaphore, #tpu.memory_space<semaphore_mem>>)
    %dma_wait3A_59 = arith.constant 1280 : i32
    %dma_wait3A_60 = tpu.memref_slice %arg5[%dma_wait3A_59] : memref<2560xi32, #tpu.memory_space<vmem>> -> memref<320xi32, #tpu.memory_space<vmem>>
    %dma_wait3A_61 = arith.constant 0 : i32
    %dma_wait3A_62 = arith.constant 0 : i32
    %dma_wait3A_63 = tpu.memref_slice %arg2[%dma_wait3A_61, %dma_wait3A_62] : memref<1000000x128xf32, #tpu.memory_space<hbm>> -> memref<1000000x128xf32, #tpu.memory_space<hbm>>
    tpu.wait_indirect_dma semaphore(%arg8 : memref<!tpu.dma_semaphore, #tpu.memory_space<semaphore_mem>>) src(%dma_wait3A_63 : memref<1000000x128xf32, #tpu.memory_space<hbm>>) dst(%arg6 : memref<320x128xf32, #tpu.memory_space<vmem>>)
    %add3A_64 = arith.constant 1280 : i32
    %add3A_65 = arith.addi %mul3A_2, %add3A_64 : i32
    "tpu.region"() ({
      %run_scoped3A = tpu.sem_alloc : memref<!tpu.dma_semaphore, #tpu.memory_space<semaphore_mem>>
      %dma_start3A_97 = arith.constant 0 : i32
      %dma_start3A_98 = tpu.memref_slice %arg4[%add3A_65, %dma_start3A_97] : memref<81920x128xf32, #tpu.memory_space<hbm>> -> memref<320x128xf32, #tpu.memory_space<hbm>>
      %dma_start3A_99 = arith.constant 0 : i32
      %dma_start3A_100 = tpu.memref_slice %arg4[%add3A_65, %dma_start3A_99] : memref<81920x128xf32, #tpu.memory_space<hbm>> -> memref<320x128xf32, #tpu.memory_space<hbm>>
      tpu.enqueue_dma source(%arg6 : memref<320x128xf32, #tpu.memory_space<vmem>>) target(%dma_start3A_100 : memref<320x128xf32, #tpu.memory_space<hbm>>) target_semaphore(%run_scoped3A : memref<!tpu.dma_semaphore, #tpu.memory_space<semaphore_mem>>)
      %dma_wait3A_101 = arith.constant 0 : i32
      %dma_wait3A_102 = tpu.memref_slice %arg4[%add3A_65, %dma_wait3A_101] : memref<81920x128xf32, #tpu.memory_space<hbm>> -> memref<320x128xf32, #tpu.memory_space<hbm>>
      %dma_wait3A_103 = arith.constant 0 : i32
      %dma_wait3A_104 = tpu.memref_slice %arg4[%add3A_65, %dma_wait3A_103] : memref<81920x128xf32, #tpu.memory_space<hbm>> -> memref<320x128xf32, #tpu.memory_space<hbm>>
      tpu.wait_dma2 semaphore(%run_scoped3A : memref<!tpu.dma_semaphore, #tpu.memory_space<semaphore_mem>>) src(%arg6 : memref<320x128xf32, #tpu.memory_space<vmem>>) dst(%dma_wait3A_104 : memref<320x128xf32, #tpu.memory_space<hbm>>)
      tpu.yield
    }) : () -> ()
    %dma_start3A_66 = arith.constant 1920 : i32
    %dma_start3A_67 = tpu.memref_slice %arg5[%dma_start3A_66] : memref<2560xi32, #tpu.memory_space<vmem>> -> memref<320xi32, #tpu.memory_space<vmem>>
    %dma_start3A_68 = arith.constant 0 : i32
    %dma_start3A_69 = arith.constant 0 : i32
    %dma_start3A_70 = tpu.memref_slice %arg2[%dma_start3A_68, %dma_start3A_69] : memref<1000000x128xf32, #tpu.memory_space<hbm>> -> memref<1000000x128xf32, #tpu.memory_space<hbm>>
    tpu.enqueue_indirect_dma source(%dma_start3A_70 : memref<1000000x128xf32, #tpu.memory_space<hbm>>) target(%arg6 : memref<320x128xf32, #tpu.memory_space<vmem>>) offsets(%dma_start3A_67 : memref<320xi32, #tpu.memory_space<vmem>>) semaphore(%arg8 : memref<!tpu.dma_semaphore, #tpu.memory_space<semaphore_mem>>)
    %dma_wait3A_71 = arith.constant 1600 : i32
    %dma_wait3A_72 = tpu.memref_slice %arg5[%dma_wait3A_71] : memref<2560xi32, #tpu.memory_space<vmem>> -> memref<320xi32, #tpu.memory_space<vmem>>
    %dma_wait3A_73 = arith.constant 0 : i32
    %dma_wait3A_74 = arith.constant 0 : i32
    %dma_wait3A_75 = tpu.memref_slice %arg2[%dma_wait3A_73, %dma_wait3A_74] : memref<1000000x128xf32, #tpu.memory_space<hbm>> -> memref<1000000x128xf32, #tpu.memory_space<hbm>>
    tpu.wait_indirect_dma semaphore(%arg9 : memref<!tpu.dma_semaphore, #tpu.memory_space<semaphore_mem>>) src(%dma_wait3A_75 : memref<1000000x128xf32, #tpu.memory_space<hbm>>) dst(%arg7 : memref<320x128xf32, #tpu.memory_space<vmem>>)
    %add3A_76 = arith.constant 1600 : i32
    %add3A_77 = arith.addi %mul3A_2, %add3A_76 : i32
    "tpu.region"() ({
      %run_scoped3A = tpu.sem_alloc : memref<!tpu.dma_semaphore, #tpu.memory_space<semaphore_mem>>
      %dma_start3A_97 = arith.constant 0 : i32
      %dma_start3A_98 = tpu.memref_slice %arg4[%add3A_77, %dma_start3A_97] : memref<81920x128xf32, #tpu.memory_space<hbm>> -> memref<320x128xf32, #tpu.memory_space<hbm>>
      %dma_start3A_99 = arith.constant 0 : i32
      %dma_start3A_100 = tpu.memref_slice %arg4[%add3A_77, %dma_start3A_99] : memref<81920x128xf32, #tpu.memory_space<hbm>> -> memref<320x128xf32, #tpu.memory_space<hbm>>
      tpu.enqueue_dma source(%arg7 : memref<320x128xf32, #tpu.memory_space<vmem>>) target(%dma_start3A_100 : memref<320x128xf32, #tpu.memory_space<hbm>>) target_semaphore(%run_scoped3A : memref<!tpu.dma_semaphore, #tpu.memory_space<semaphore_mem>>)
      %dma_wait3A_101 = arith.constant 0 : i32
      %dma_wait3A_102 = tpu.memref_slice %arg4[%add3A_77, %dma_wait3A_101] : memref<81920x128xf32, #tpu.memory_space<hbm>> -> memref<320x128xf32, #tpu.memory_space<hbm>>
      %dma_wait3A_103 = arith.constant 0 : i32
      %dma_wait3A_104 = tpu.memref_slice %arg4[%add3A_77, %dma_wait3A_103] : memref<81920x128xf32, #tpu.memory_space<hbm>> -> memref<320x128xf32, #tpu.memory_space<hbm>>
      tpu.wait_dma2 semaphore(%run_scoped3A : memref<!tpu.dma_semaphore, #tpu.memory_space<semaphore_mem>>) src(%arg7 : memref<320x128xf32, #tpu.memory_space<vmem>>) dst(%dma_wait3A_104 : memref<320x128xf32, #tpu.memory_space<hbm>>)
      tpu.yield
    }) : () -> ()
    %dma_start3A_78 = arith.constant 2240 : i32
    %dma_start3A_79 = tpu.memref_slice %arg5[%dma_start3A_78] : memref<2560xi32, #tpu.memory_space<vmem>> -> memref<320xi32, #tpu.memory_space<vmem>>
    %dma_start3A_80 = arith.constant 0 : i32
    %dma_start3A_81 = arith.constant 0 : i32
    %dma_start3A_82 = tpu.memref_slice %arg2[%dma_start3A_80, %dma_start3A_81] : memref<1000000x128xf32, #tpu.memory_space<hbm>> -> memref<1000000x128xf32, #tpu.memory_space<hbm>>
    tpu.enqueue_indirect_dma source(%dma_start3A_82 : memref<1000000x128xf32, #tpu.memory_space<hbm>>) target(%arg7 : memref<320x128xf32, #tpu.memory_space<vmem>>) offsets(%dma_start3A_79 : memref<320xi32, #tpu.memory_space<vmem>>) semaphore(%arg9 : memref<!tpu.dma_semaphore, #tpu.memory_space<semaphore_mem>>)
    %dma_wait3A_83 = arith.constant 1920 : i32
    %dma_wait3A_84 = tpu.memref_slice %arg5[%dma_wait3A_83] : memref<2560xi32, #tpu.memory_space<vmem>> -> memref<320xi32, #tpu.memory_space<vmem>>
    %dma_wait3A_85 = arith.constant 0 : i32
    %dma_wait3A_86 = arith.constant 0 : i32
    %dma_wait3A_87 = tpu.memref_slice %arg2[%dma_wait3A_85, %dma_wait3A_86] : memref<1000000x128xf32, #tpu.memory_space<hbm>> -> memref<1000000x128xf32, #tpu.memory_space<hbm>>
    tpu.wait_indirect_dma semaphore(%arg8 : memref<!tpu.dma_semaphore, #tpu.memory_space<semaphore_mem>>) src(%dma_wait3A_87 : memref<1000000x128xf32, #tpu.memory_space<hbm>>) dst(%arg6 : memref<320x128xf32, #tpu.memory_space<vmem>>)
    %add3A_88 = arith.constant 1920 : i32
    %add3A_89 = arith.addi %mul3A_2, %add3A_88 : i32
    "tpu.region"() ({
      %run_scoped3A = tpu.sem_alloc : memref<!tpu.dma_semaphore, #tpu.memory_space<semaphore_mem>>
      %dma_start3A_97 = arith.constant 0 : i32
      %dma_start3A_98 = tpu.memref_slice %arg4[%add3A_89, %dma_start3A_97] : memref<81920x128xf32, #tpu.memory_space<hbm>> -> memref<320x128xf32, #tpu.memory_space<hbm>>
      %dma_start3A_99 = arith.constant 0 : i32
      %dma_start3A_100 = tpu.memref_slice %arg4[%add3A_89, %dma_start3A_99] : memref<81920x128xf32, #tpu.memory_space<hbm>> -> memref<320x128xf32, #tpu.memory_space<hbm>>
      tpu.enqueue_dma source(%arg6 : memref<320x128xf32, #tpu.memory_space<vmem>>) target(%dma_start3A_100 : memref<320x128xf32, #tpu.memory_space<hbm>>) target_semaphore(%run_scoped3A : memref<!tpu.dma_semaphore, #tpu.memory_space<semaphore_mem>>)
      %dma_wait3A_101 = arith.constant 0 : i32
      %dma_wait3A_102 = tpu.memref_slice %arg4[%add3A_89, %dma_wait3A_101] : memref<81920x128xf32, #tpu.memory_space<hbm>> -> memref<320x128xf32, #tpu.memory_space<hbm>>
      %dma_wait3A_103 = arith.constant 0 : i32
      %dma_wait3A_104 = tpu.memref_slice %arg4[%add3A_89, %dma_wait3A_103] : memref<81920x128xf32, #tpu.memory_space<hbm>> -> memref<320x128xf32, #tpu.memory_space<hbm>>
      tpu.wait_dma2 semaphore(%run_scoped3A : memref<!tpu.dma_semaphore, #tpu.memory_space<semaphore_mem>>) src(%arg6 : memref<320x128xf32, #tpu.memory_space<vmem>>) dst(%dma_wait3A_104 : memref<320x128xf32, #tpu.memory_space<hbm>>)
      tpu.yield
    }) : () -> ()
    %dma_wait3A_90 = arith.constant 2240 : i32
    %dma_wait3A_91 = tpu.memref_slice %arg5[%dma_wait3A_90] : memref<2560xi32, #tpu.memory_space<vmem>> -> memref<320xi32, #tpu.memory_space<vmem>>
    %dma_wait3A_92 = arith.constant 0 : i32
    %dma_wait3A_93 = arith.constant 0 : i32
    %dma_wait3A_94 = tpu.memref_slice %arg2[%dma_wait3A_92, %dma_wait3A_93] : memref<1000000x128xf32, #tpu.memory_space<hbm>> -> memref<1000000x128xf32, #tpu.memory_space<hbm>>
    tpu.wait_indirect_dma semaphore(%arg9 : memref<!tpu.dma_semaphore, #tpu.memory_space<semaphore_mem>>) src(%dma_wait3A_94 : memref<1000000x128xf32, #tpu.memory_space<hbm>>) dst(%arg7 : memref<320x128xf32, #tpu.memory_space<vmem>>)
    %add3A_95 = arith.constant 2240 : i32
    %add3A_96 = arith.addi %mul3A_2, %add3A_95 : i32
    "tpu.region"() ({
      %run_scoped3A = tpu.sem_alloc : memref<!tpu.dma_semaphore, #tpu.memory_space<semaphore_mem>>
      %dma_start3A_97 = arith.constant 0 : i32
      %dma_start3A_98 = tpu.memref_slice %arg4[%add3A_96, %dma_start3A_97] : memref<81920x128xf32, #tpu.memory_space<hbm>> -> memref<320x128xf32, #tpu.memory_space<hbm>>
      %dma_start3A_99 = arith.constant 0 : i32
      %dma_start3A_100 = tpu.memref_slice %arg4[%add3A_96, %dma_start3A_99] : memref<81920x128xf32, #tpu.memory_space<hbm>> -> memref<320x128xf32, #tpu.memory_space<hbm>>
      tpu.enqueue_dma source(%arg7 : memref<320x128xf32, #tpu.memory_space<vmem>>) target(%dma_start3A_100 : memref<320x128xf32, #tpu.memory_space<hbm>>) target_semaphore(%run_scoped3A : memref<!tpu.dma_semaphore, #tpu.memory_space<semaphore_mem>>)
      %dma_wait3A_101 = arith.constant 0 : i32
      %dma_wait3A_102 = tpu.memref_slice %arg4[%add3A_96, %dma_wait3A_101] : memref<81920x128xf32, #tpu.memory_space<hbm>> -> memref<320x128xf32, #tpu.memory_space<hbm>>
      %dma_wait3A_103 = arith.constant 0 : i32
      %dma_wait3A_104 = tpu.memref_slice %arg4[%add3A_96, %dma_wait3A_103] : memref<81920x128xf32, #tpu.memory_space<hbm>> -> memref<320x128xf32, #tpu.memory_space<hbm>>
      tpu.wait_dma2 semaphore(%run_scoped3A : memref<!tpu.dma_semaphore, #tpu.memory_space<semaphore_mem>>) src(%arg7 : memref<320x128xf32, #tpu.memory_space<vmem>>) dst(%dma_wait3A_104 : memref<320x128xf32, #tpu.memory_space<hbm>>)
      tpu.yield
    }) : () -> ()
    return
  }
}

module attributes {stable_mosaic.version = 14 : i64} {
  func.func @_pad_body(%arg0: i32, %arg1: memref<50x16384xf32, #tpu.memory_space<vmem>>, %arg2: memref<16384x128xf32, #tpu.memory_space<vmem>>) attributes {dimension_semantics = [#tpu.dimension_semantics<arbitrary>], iteration_bounds = array<i64: 62>, scalar_prefetch = 0 : i64, scratch_operands = 0 : i64, tpu.core_type = #tpu.core_type<tc>, window_params = [{transform_indices = @transform_0, window_bounds = array<i64: 50, 16384>}, {transform_indices = @transform_1, window_bounds = array<i64: 16384, 128>}]} {
    %get3A = arith.constant 0 : index
    %get3A_0 = arith.constant 0 : index
    %get3A_1 = vector.load %arg1[%get3A, %get3A_0] : memref<50x16384xf32, #tpu.memory_space<vmem>>, vector<50x16384xf32>
    %transpose3A = tpu.transpose %get3A_1, [1, 0] : vector<50x16384xf32> -> vector<16384x50xf32>
    %swap3A = arith.constant 0 : index
    %swap3A_2 = arith.constant 0 : index
    %swap3A_3 = vector.load %arg2[%swap3A, %swap3A_2] : memref<16384x128xf32, #tpu.memory_space<vmem>>, vector<16384x50xf32>
    tpu.vector_store %arg2[%swap3A, %swap3A_2], %transpose3A {strides = array<i32>} : memref<16384x128xf32, #tpu.memory_space<vmem>>, vector<16384x50xf32>,
    %broadcast_in_dim3A = arith.constant 0.000000e+00 : f32
    %broadcast_in_dim3A_4 = vector.broadcast %broadcast_in_dim3A : f32 to vector<16384x78xf32>
    %swap3A_5 = arith.constant 0 : index
    %swap3A_6 = arith.constant 50 : index
    %swap3A_7 = vector.load %arg2[%swap3A_5, %swap3A_6] : memref<16384x128xf32, #tpu.memory_space<vmem>>, vector<16384x78xf32>
    tpu.vector_store %arg2[%swap3A_5, %swap3A_6], %broadcast_in_dim3A_4 {strides = array<i32>} : memref<16384x128xf32, #tpu.memory_space<vmem>>, vector<16384x78xf32>,
    return
  }
  func.func @transform_0(%arg0: i32) -> (i32, i32) {
    %c0_i32 = arith.constant 0 : i32
    %c0_i32_0 = arith.constant 0 : i32
    return %c0_i32, %arg0 : i32, i32
  }
  func.func @transform_1(%arg0: i32) -> (i32, i32) {
    %c0_i32 = arith.constant 0 : i32
    %c0_i32_0 = arith.constant 0 : i32
    return %arg0, %c0_i32 : i32, i32
  }
}

module attributes {stable_mosaic.version = 14 : i64} {
  func.func @_mlp_body(%arg0: i32, %arg1: memref<5x2048x128xf32, #tpu.memory_space<vmem>>, %arg2: memref<5x128x100xf32, #tpu.memory_space<vmem>>, %arg3: memref<1x100xf32, #tpu.memory_space<vmem>>, %arg4: memref<100x46xf32, #tpu.memory_space<vmem>>, %arg5: memref<1x46xf32, #tpu.memory_space<vmem>>, %arg6: memref<2048x46xf32, #tpu.memory_space<vmem>>) attributes {dimension_semantics = [#tpu.dimension_semantics<arbitrary>], iteration_bounds = array<i64: 8>, scalar_prefetch = 0 : i64, scratch_operands = 0 : i64, tpu.core_type = #tpu.core_type<tc>, window_params = [{transform_indices = @transform_0, window_bounds = array<i64: 5, 2048, 128>}, {pipeline_mode = #tpu.pipeline_mode<synchronous>, transform_indices = @transform_1, window_bounds = array<i64: 5, 128, 100>}, {pipeline_mode = #tpu.pipeline_mode<synchronous>, transform_indices = @transform_2, window_bounds = array<i64: 1, 100>}, {pipeline_mode = #tpu.pipeline_mode<synchronous>, transform_indices = @transform_3, window_bounds = array<i64: 100, 46>}, {pipeline_mode = #tpu.pipeline_mode<synchronous>, transform_indices = @transform_4, window_bounds = array<i64: 1, 46>}, {transform_indices = @transform_5, window_bounds = array<i64: 2048, 46>}]} {
    %get3A = arith.constant 0 : index
    %get3A_0 = arith.constant 0 : index
    %get3A_1 = arith.constant 0 : index
    %get3A_2 = vector.load %arg1[%get3A, %get3A_0, %get3A_1] : memref<5x2048x128xf32, #tpu.memory_space<vmem>>, vector<1x2048x128xf32>
    %get3A_3 = vector.shape_cast %get3A_2 : vector<1x2048x128xf32> to vector<2048x128xf32>
    %get3A_4 = arith.constant 0 : index
    %get3A_5 = arith.constant 0 : index
    %get3A_6 = arith.constant 0 : index
    %get3A_7 = vector.load %arg2[%get3A_4, %get3A_5, %get3A_6] : memref<5x128x100xf32, #tpu.memory_space<vmem>>, vector<1x128x100xf32>
    %get3A_8 = vector.shape_cast %get3A_7 : vector<1x128x100xf32> to vector<128x100xf32>
    %dot_general3A = arith.constant dense<0.000000e+00> : vector<2048x100xf32>
    %dot_general3A_9 = tpu.matmul %get3A_3, %get3A_8, %dot_general3A {dimension_numbers = #tpu.dot_dimension_numbers<[1], [0], [0], [1], [0, 0, 1, 1], [], []>, transpose_lhs_hint = false} : vector<2048x128xf32>, vector<128x100xf32>, vector<2048x100xf32> -> vector<2048x100xf32>
    %get3A_10 = arith.constant 1 : index
    %get3A_11 = arith.constant 0 : index
    %get3A_12 = arith.constant 0 : index
    %get3A_13 = vector.load %arg1[%get3A_10, %get3A_11, %get3A_12] : memref<5x2048x128xf32, #tpu.memory_space<vmem>>, vector<1x2048x128xf32>
    %get3A_14 = vector.shape_cast %get3A_13 : vector<1x2048x128xf32> to vector<2048x128xf32>
    %get3A_15 = arith.constant 1 : index
    %get3A_16 = arith.constant 0 : index
    %get3A_17 = arith.constant 0 : index
    %get3A_18 = vector.load %arg2[%get3A_15, %get3A_16, %get3A_17] : memref<5x128x100xf32, #tpu.memory_space<vmem>>, vector<1x128x100xf32>
    %get3A_19 = vector.shape_cast %get3A_18 : vector<1x128x100xf32> to vector<128x100xf32>
    %dot_general3A_20 = arith.constant dense<0.000000e+00> : vector<2048x100xf32>
    %dot_general3A_21 = tpu.matmul %get3A_14, %get3A_19, %dot_general3A_20 {dimension_numbers = #tpu.dot_dimension_numbers<[1], [0], [0], [1], [0, 0, 1, 1], [], []>, transpose_lhs_hint = false} : vector<2048x128xf32>, vector<128x100xf32>, vector<2048x100xf32> -> vector<2048x100xf32>
    %add3A = arith.addf %dot_general3A_9, %dot_general3A_21 : vector<2048x100xf32>
    %get3A_22 = arith.constant 2 : index
    %get3A_23 = arith.constant 0 : index
    %get3A_24 = arith.constant 0 : index
    %get3A_25 = vector.load %arg1[%get3A_22, %get3A_23, %get3A_24] : memref<5x2048x128xf32, #tpu.memory_space<vmem>>, vector<1x2048x128xf32>
    %get3A_26 = vector.shape_cast %get3A_25 : vector<1x2048x128xf32> to vector<2048x128xf32>
    %get3A_27 = arith.constant 2 : index
    %get3A_28 = arith.constant 0 : index
    %get3A_29 = arith.constant 0 : index
    %get3A_30 = vector.load %arg2[%get3A_27, %get3A_28, %get3A_29] : memref<5x128x100xf32, #tpu.memory_space<vmem>>, vector<1x128x100xf32>
    %get3A_31 = vector.shape_cast %get3A_30 : vector<1x128x100xf32> to vector<128x100xf32>
    %dot_general3A_32 = arith.constant dense<0.000000e+00> : vector<2048x100xf32>
    %dot_general3A_33 = tpu.matmul %get3A_26, %get3A_31, %dot_general3A_32 {dimension_numbers = #tpu.dot_dimension_numbers<[1], [0], [0], [1], [0, 0, 1, 1], [], []>, transpose_lhs_hint = false} : vector<2048x128xf32>, vector<128x100xf32>, vector<2048x100xf32> -> vector<2048x100xf32>
    %add3A_34 = arith.addf %add3A, %dot_general3A_33 : vector<2048x100xf32>
    %get3A_35 = arith.constant 3 : index
    %get3A_36 = arith.constant 0 : index
    %get3A_37 = arith.constant 0 : index
    %get3A_38 = vector.load %arg1[%get3A_35, %get3A_36, %get3A_37] : memref<5x2048x128xf32, #tpu.memory_space<vmem>>, vector<1x2048x128xf32>
    %get3A_39 = vector.shape_cast %get3A_38 : vector<1x2048x128xf32> to vector<2048x128xf32>
    %get3A_40 = arith.constant 3 : index
    %get3A_41 = arith.constant 0 : index
    %get3A_42 = arith.constant 0 : index
    %get3A_43 = vector.load %arg2[%get3A_40, %get3A_41, %get3A_42] : memref<5x128x100xf32, #tpu.memory_space<vmem>>, vector<1x128x100xf32>
    %get3A_44 = vector.shape_cast %get3A_43 : vector<1x128x100xf32> to vector<128x100xf32>
    %dot_general3A_45 = arith.constant dense<0.000000e+00> : vector<2048x100xf32>
    %dot_general3A_46 = tpu.matmul %get3A_39, %get3A_44, %dot_general3A_45 {dimension_numbers = #tpu.dot_dimension_numbers<[1], [0], [0], [1], [0, 0, 1, 1], [], []>, transpose_lhs_hint = false} : vector<2048x128xf32>, vector<128x100xf32>, vector<2048x100xf32> -> vector<2048x100xf32>
    %add3A_47 = arith.addf %add3A_34, %dot_general3A_46 : vector<2048x100xf32>
    %get3A_48 = arith.constant 4 : index
    %get3A_49 = arith.constant 0 : index
    %get3A_50 = arith.constant 0 : index
    %get3A_51 = vector.load %arg1[%get3A_48, %get3A_49, %get3A_50] : memref<5x2048x128xf32, #tpu.memory_space<vmem>>, vector<1x2048x128xf32>
    %get3A_52 = vector.shape_cast %get3A_51 : vector<1x2048x128xf32> to vector<2048x128xf32>
    %get3A_53 = arith.constant 4 : index
    %get3A_54 = arith.constant 0 : index
    %get3A_55 = arith.constant 0 : index
    %get3A_56 = vector.load %arg2[%get3A_53, %get3A_54, %get3A_55] : memref<5x128x100xf32, #tpu.memory_space<vmem>>, vector<1x128x100xf32>
    %get3A_57 = vector.shape_cast %get3A_56 : vector<1x128x100xf32> to vector<128x100xf32>
    %dot_general3A_58 = arith.constant dense<0.000000e+00> : vector<2048x100xf32>
    %dot_general3A_59 = tpu.matmul %get3A_52, %get3A_57, %dot_general3A_58 {dimension_numbers = #tpu.dot_dimension_numbers<[1], [0], [0], [1], [0, 0, 1, 1], [], []>, transpose_lhs_hint = false} : vector<2048x128xf32>, vector<128x100xf32>, vector<2048x100xf32> -> vector<2048x100xf32>
    %add3A_60 = arith.addf %add3A_47, %dot_general3A_59 : vector<2048x100xf32>
    %get3A_61 = arith.constant 0 : index
    %get3A_62 = arith.constant 0 : index
    %get3A_63 = vector.load %arg3[%get3A_61, %get3A_62] : memref<1x100xf32, #tpu.memory_space<vmem>>, vector<1x100xf32>
    %add3A_64 = vector.broadcast %get3A_63 : vector<1x100xf32> to vector<2048x100xf32>
    %add3A_65 = arith.addf %add3A_60, %add3A_64 : vector<2048x100xf32>
    %tanh3A = math.tanh %add3A_65 : vector<2048x100xf32>
    %get3A_66 = arith.constant 0 : index
    %get3A_67 = arith.constant 0 : index
    %get3A_68 = vector.load %arg4[%get3A_66, %get3A_67] : memref<100x46xf32, #tpu.memory_space<vmem>>, vector<100x46xf32>
    %dot_general3A_69 = arith.constant dense<0.000000e+00> : vector<2048x46xf32>
    %dot_general3A_70 = tpu.matmul %tanh3A, %get3A_68, %dot_general3A_69 {dimension_numbers = #tpu.dot_dimension_numbers<[1], [0], [0], [1], [0, 0, 1, 1], [], []>, transpose_lhs_hint = false} : vector<2048x100xf32>, vector<100x46xf32>, vector<2048x46xf32> -> vector<2048x46xf32>
    %get3A_71 = arith.constant 0 : index
    %get3A_72 = arith.constant 0 : index
    %get3A_73 = vector.load %arg5[%get3A_71, %get3A_72] : memref<1x46xf32, #tpu.memory_space<vmem>>, vector<1x46xf32>
    %add3A_74 = vector.broadcast %get3A_73 : vector<1x46xf32> to vector<2048x46xf32>
    %add3A_75 = arith.addf %dot_general3A_70, %add3A_74 : vector<2048x46xf32>
    %reduce_max3A = arith.constant dense<0xFF800000> : vector<2048xf32>
    %reduce_max3A_76 = vector.multi_reduction <maximumf>, %add3A_75, %reduce_max3A [1] : vector<2048x46xf32> to vector<2048xf32>
    %broadcast_in_dim3A = vector.shape_cast %reduce_max3A_76 : vector<2048xf32> to vector<2048x1xf32>
    %sub3A = vector.broadcast %broadcast_in_dim3A : vector<2048x1xf32> to vector<2048x46xf32>
    %sub3A_77 = arith.subf %add3A_75, %sub3A : vector<2048x46xf32>
    %exp3A = math.exp %sub3A_77 : vector<2048x46xf32>
    %reduce_sum3A = arith.constant dense<0.000000e+00> : vector<2048xf32>
    %reduce_sum3A_78 = vector.multi_reduction <add>, %exp3A, %reduce_sum3A [1] : vector<2048x46xf32> to vector<2048xf32>
    %broadcast_in_dim3A_79 = vector.shape_cast %reduce_sum3A_78 : vector<2048xf32> to vector<2048x1xf32>
    %log3A = math.log %broadcast_in_dim3A_79 : vector<2048x1xf32>
    %sub3A_80 = vector.broadcast %log3A : vector<2048x1xf32> to vector<2048x46xf32>
    %sub3A_81 = arith.subf %sub3A_77, %sub3A_80 : vector<2048x46xf32>
    %swap3A = arith.constant 0 : index
    %swap3A_82 = arith.constant 0 : index
    %swap3A_83 = vector.load %arg6[%swap3A, %swap3A_82] : memref<2048x46xf32, #tpu.memory_space<vmem>>, vector<2048x46xf32>
    tpu.vector_store %arg6[%swap3A, %swap3A_82], %sub3A_81 {strides = array<i32>} : memref<2048x46xf32, #tpu.memory_space<vmem>>, vector<2048x46xf32>,
    return
  }
  func.func @transform_0(%arg0: i32) -> (i32, i32, i32) {
    %c0_i32 = arith.constant 0 : i32
    %c0_i32_0 = arith.constant 0 : i32
    %c0_i32_1 = arith.constant 0 : i32
    return %c0_i32, %arg0, %c0_i32_0 : i32, i32, i32
  }
  func.func @transform_1(%arg0: i32) -> (i32, i32, i32) {
    %c0_i32 = arith.constant 0 : i32
    %c0_i32_0 = arith.constant 0 : i32
    %c0_i32_1 = arith.constant 0 : i32
    %c0_i32_2 = arith.constant 0 : i32
    return %c0_i32, %c0_i32_0, %c0_i32_1 : i32, i32, i32
  }
  func.func @transform_2(%arg0: i32) -> (i32, i32) {
    %c0_i32 = arith.constant 0 : i32
    %c0_i32_0 = arith.constant 0 : i32
    %c0_i32_1 = arith.constant 0 : i32
    return %c0_i32, %c0_i32_0 : i32, i32
  }
  func.func @transform_3(%arg0: i32) -> (i32, i32) {
    %c0_i32 = arith.constant 0 : i32
    %c0_i32_0 = arith.constant 0 : i32
    %c0_i32_1 = arith.constant 0 : i32
    return %c0_i32, %c0_i32_0 : i32, i32
  }
  func.func @transform_4(%arg0: i32) -> (i32, i32) {
    %c0_i32 = arith.constant 0 : i32
    %c0_i32_0 = arith.constant 0 : i32
    %c0_i32_1 = arith.constant 0 : i32
    return %c0_i32, %c0_i32_0 : i32, i32
  }
  func.func @transform_5(%arg0: i32) -> (i32, i32) {
    %c0_i32 = arith.constant 0 : i32
    %c0_i32_0 = arith.constant 0 : i32
    return %arg0, %c0_i32 : i32, i32
  }
}

</mosaic_0001>

<sc_bundles>
// kernel: kernel.5.cloned.1.call-start
scs
__scs_entry_jumppad:
0x0: {  	(pc) =	sbr.rel $0x88, $3  }
0x1: {  	(tag) =	ssettag $0x0;
	lr =	simm.s32 $0x1  }
0x2: {  	[smem:$0x3F9B] =	sst lr;
	_ =	strace $0xD0000000  }
0x3: {  	_ = 	snop  }
0x4: {  	_ = 	snop  }
0x5: {  	_ = 	snop  }
0x6: {  	_ = 	snop  }
0x7: {  	_ = 	snop  }
__scs_overlays_trampoline_lowered:
0x8: {  	[smem:$0x3FAA] =	sst s0  }
0x9: {  	[smem:$0x3FAB] =	sst s1  }
0xa: {  	[smem:$0x3FAC] =	sst s2  }
0xb: {  	[smem:$0x3FAD] =	sst s3  }
0xc: {  	[smem:$0x3FAE] =	sst s4  }
0xd: {  	[smem:$0x3FAF] =	sst s5  }
0xe: {  	[smem:$0x3FB0] =	sst s6  }
0xf: {  	[smem:$0x3FB1] =	sst s7  }
0x10: {  	[smem:$0x3FB2] =	sst s8  }
0x11: {  	[smem:$0x3FB3] =	sst s9;
	s0 =	simm.s32 @!p0 $0x0  }
0x12: {  	s1 =	sld [smem:$0x3F99];
	s0 =	simm.s32 @p0 $0x1  }
0x13: {  	[smem:$0x3FB4] =	sst s0;
	s0 =	simm.s32 @!p1 $0x0  }
0x14: {  	s2 =	sld [smem:$0x3F98];
	s0 =	simm.s32 @p1 $0x1  }
0x15: {  	[smem:$0x3FB5] =	sst s0;
	s0 =	simm.s32 @!p2 $0x0  }
0x16: {  	s3 =	sld [smem:$0x3FDB];
	s0 =	simm.s32 @p2 $0x1  }
0x17: {  	s4 =	simm.s32 $0x1BF5;
	[smem:$0x3FB7] =	sst s0  }
0x18: {  	s0 =	sld [smem:$0x3F9A];
	_ =	swait.ge [sflag:s4], $0x0  }
0x19: {  	s7 =	sld [smem:$0x3F9B]  }
0x1a: {  	s8 =	sadd.s32 $0xFFFFE003, lr  }
0x1b: {  	s9 =	sadd.s32 $0xFFFFFEF7, lr;
	s5 =	simm.s32 $0xFFFFFFFF;
	p2 =	slt.u32 s8, $0xFFFFF086  }
0x1c: {  	p1 =	slt.u32 s9, $0xF7A;
	s5 =	simm.s32 @!p2 $0x0  }
0x1d: {  	s5 =	simm.s32 @p1 $0x1;
	p0 =	seq.s32 s7, s2  }
0x1e: {  	s7 =	smul.u32 @!p0 $0xF7A, s2;
	p2 =	seq.s32 @!p0 s5, $0x0  }
0x1f: {  	s9 =	smul.u32 $0xF7A, s1;
	s8 =	simm.s32 @!p0 $0x1BF5;
	p2 =	por !p2, p0  }
0x20: {  	[sflag:s8] =	ssyncset.s32 @!p0 $0xFFFFF086;
	s6 =	sadd.s32 @!p0 s3, s7;
	s7 =	simm.s32 @!p0 $0x108  }
0x21: {  	s3 =	sadd.s32 s3, s9;
	s6 =	sadd.s32 @!p0 $0x88, s6;
	s7 =	simm.s32 @p2 $0x1082  }
0x22: {  	[simem:s7], [sflag:s8] =	dma.local @!p0 [hbm:s6], $0xF7A  }
0x23: {  	s9 =	sor.u32 $0xD0000000, s2;
	s6 =	simm.s32 $0x108;
	_ =	swait.ge @!p0 [sflag:s8], $0x0  }
0x24: {  	s3 =	sadd.s32 $0x88, s3;
	s6 =	simm.s32 @!p1 $0x1082;
	[sflag:s4] =	ssyncset.s32 $0xFFFFF086  }
0x25: {  	[simem:s6], [sflag:s4] =	dma.local [hbm:s3], $0xF7A  }
0x26: {  	[smem:$0x3F9B] =	sst s1;
	(tag) =	ssettag s2;
	_ =	strace s9  }
0x27: {  	s1 =	sld [smem:$0x3FAB]  }
0x28: {  	s2 =	sld [smem:$0x3FAC]  }
0x29: {  	s4 =	sld [smem:$0x3FAE]  }
0x2a: {  	p0 =	seq.s32 s5, $0x0;
	s5 =	sld [smem:$0x3FAF]  }
0x2b: {  	s6 =	sld [smem:$0x3FB0]  }
0x2c: {  	s7 =	sld [smem:$0x3FB1]  }
0x2d: {  	s3 =	simm.s32 $0x108;
	s8 =	sld [smem:$0x3FB2]  }
0x2e: {  	s3 =	simm.s32 @!p0 $0x1082;
	s9 =	sld [smem:$0x3FB3]  }
0x2f: {  	lr =	sadd.s32 s0, s3;
	s0 =	sld [smem:$0x3FAA]  }
0x30: {  	s3 =	sld [smem:$0x3FAD]  }
0x31: {  	[smem:$0x3FB6] =	sst s10  }
0x32: {  	s10 =	sld [smem:$0x3FB4];
	_ =	sdelay $0x3  }
0x33: {  	p0 =	seq.s32 s10, $0x1;
	s10 =	sld [smem:$0x3FB6];
	_ =	sdelay $0x3  }
0x34: {  	[smem:$0x3FB6] =	sst s10  }
0x35: {  	s10 =	sld [smem:$0x3FB5];
	_ =	sdelay $0x3  }
0x36: {  	p1 =	seq.s32 s10, $0x1;
	s10 =	sld [smem:$0x3FB6];
	_ =	sdelay $0x3  }
0x37: {  	[smem:$0x3FB6] =	sst s10  }
0x38: {  	s10 =	sld [smem:$0x3FB7]  }
0x39: {  	_ = 	snop;
	(pc) =	sbr.ind lr, $3  }
0x3a: {  	_ = 	snop  }
0x3b: {  	_ = 	snop  }
0x3c: {  	p2 =	seq.s32 s10, $0x1;
	s10 =	sld [smem:$0x3FB6]  }
0x3d: {  	_ =	shalt  }
0x3e: {  	_ =	shalt  }
0x3f: {  	_ =	shalt  }
0x40: {  	_ =	shalt  }
0x41: {  	_ =	shalt  }
0x42: {  	_ =	shalt  }
0x43: {  	_ =	shalt  }
0x44: {  	_ =	shalt  }
0x45: {  	_ =	shalt  }
0x46: {  	_ =	shalt  }
0x47: {  	_ =	shalt  }
0x48: {  	_ =	shalt  }
0x49: {  	_ =	shalt  }
0x4a: {  	_ =	shalt  }
0x4b: {  	_ =	shalt  }
0x4c: {  	_ =	shalt  }
0x4d: {  	_ =	shalt  }
0x4e: {  	_ =	shalt  }
0x4f: {  	_ =	shalt  }
0x50: {  	_ =	shalt  }
0x51: {  	_ =	shalt  }
0x52: {  	_ =	shalt  }
0x53: {  	_ =	shalt  }
0x54: {  	_ =	shalt  }
0x55: {  	_ =	shalt  }
0x56: {  	_ =	shalt  }
0x57: {  	_ =	shalt  }
0x58: {  	_ =	shalt  }
0x59: {  	_ =	shalt  }
0x5a: {  	_ =	shalt  }
0x5b: {  	_ =	shalt  }
0x5c: {  	_ =	shalt  }
0x5d: {  	_ =	shalt  }
0x5e: {  	_ =	shalt  }
0x5f: {  	_ =	shalt  }
0x60: {  	_ =	shalt  }
0x61: {  	_ =	shalt  }
0x62: {  	_ =	shalt  }
0x63: {  	_ =	shalt  }
0x64: {  	_ =	shalt  }
0x65: {  	_ =	shalt  }
0x66: {  	_ =	shalt  }
0x67: {  	_ =	shalt  }
0x68: {  	_ =	shalt  }
0x69: {  	_ =	shalt  }
0x6a: {  	_ =	shalt  }
0x6b: {  	_ =	shalt  }
0x6c: {  	_ =	shalt  }
0x6d: {  	_ =	shalt  }
0x6e: {  	_ =	shalt  }
0x6f: {  	_ =	shalt  }
0x70: {  	_ =	shalt  }
0x71: {  	_ =	shalt  }
0x72: {  	_ =	shalt  }
0x73: {  	_ =	shalt  }
0x74: {  	_ =	shalt  }
0x75: {  	_ =	shalt  }
0x76: {  	_ =	shalt  }
0x77: {  	_ =	shalt  }
0x78: {  	_ =	shalt  }
0x79: {  	_ =	shalt  }
0x7a: {  	_ =	shalt  }
0x7b: {  	_ =	shalt  }
0x7c: {  	_ =	shalt  }
0x7d: {  	_ =	shalt  }
0x7e: {  	_ =	shalt  }
0x7f: {  	_ =	shalt  }
0x80: {  	_ =	shalt  }
0x81: {  	_ =	shalt  }
0x82: {  	_ =	shalt  }
0x83: {  	_ =	shalt  }
0x84: {  	_ =	shalt  }
0x85: {  	_ =	shalt  }
0x86: {  	_ =	shalt  }
0x87: {  	_ =	shalt  }
.Lfunc_end0:
.L_simem_size_0:
called_computation_lowered:
.L_overlay_start_0:
0x88: {  	s2 =	sld [smem:$0x3FD9]  }
0x89: {  	s3 =	sld [smem:$0x3FFE];
	_ =	sdelay $0x1  }
0x8a: {  	s1 =	srdreg.scid  }
0x8b: {  	s0 =	sand.u32 $0x1, s1  }
0x8c: {  	s17 =	sshll.u32 s0, $0xA;
	s2 =	sadd.s32 s3, s2  }
0x8d: {  	s2 =	sadd.s32 s2, s17  }
0x8e: {  	[smem:$0x3FC2] =	sst s2  }
0x8f: {  	_ = 	snop  }
0x90: {  	s2 =	sld [smem:$0x3FD0];
	(tm) =	ssettm $0x1  }
0x91: {  	s18 =	sld [smem:$0x3FFB];
	_ =	sdelay $0x3  }
0x92: {  	_ =	strace s18  }
0x93: {  	s3 =	sld [smem:$0x3FFC];
	_ =	sdelay $0x3  }
0x94: {  	_ =	strace s3  }
0x95: {  	s3 =	sld [smem:$0x3FFD];
	_ =	sdelay $0x3  }
0x96: {  	_ =	strace s3  }
0x97: {  	_ =	strace $0x8FFFFFFF  }
0x98: {  	s19 =	sld [smem:$0x3FDB];
	_ =	sdelay $0x1  }
0x99: {  	s4 =	simm.s32 $_scs_section_size  }
0x9a: {  	s5 =	simm.s32 $_size__tile_overlayer_lowered;
	s6 =	simm.s32 $_tile_overlayer_lowered  }
0x9b: {  	s22 =	simm.s32 $0x1BFF;
	s21 =	sshll.u32 s6, $0x1;
	s3 =	sadd.s32 s4, s19  }
0x9c: {  	s7 =	simm.s32 $0x0;
	s20 =	sshll.u32 s5, $0x1;
	s5 =	sadd.s32 s21, s3  }
0x9d: {  	[timem:s7], [sflag:s22] =	dma.local [hbm:s5], s20  }
0x9e: {  	_ =	swait.ge [sflag:s22], s20  }
0x9f: {  	s4 =	ssub.s32 $0x0, s20;
	[sflag:s22] =	ssyncset.done $0x0  }
0xa0: {  	[sflag:s22] =	ssyncadd.s32 s4;
	_ =	sdelay $0x1  }
0xa1: {  	s23 =	simm.s32 $0x1B8B  }
0xa2: {  	_ =	swait.ge [sflag:s23], $0x1  }
0xa3: {  	[sflag:s23] =	ssyncset.done $0x0  }
0xa4: {  	s25 =	simm.s32 $0x1B8E;
	s24 =	sld [smem:$0x3FFE];
	[sflag:s23] =	ssyncadd.s32 $0xFFFFFFFF  }
0xa5: {  	s26 =	simm.s32 $execute0_lowered;
	[smem:$0x3FD2] =	sst s25  }
0xa6: {  	s5 =	sshll.u32 s26, $0x1;
	_ =	strace $0x80000046;
	[dreg:$0x1] =	wrdreg $0xFFFFFFFF  }
0xa7: {  	s28 =	simm.s32 $_size_execute0_lowered;
	s3 =	sadd.s32 s3, s5;
	[dreg:$0x0] =	wrdreg $0x0  }
0xa8: {  	s5 =	sshll.u32 s28, $0x1;
	[dreg:$0x2] =	wrdreg s3  }
0xa9: {  	[dreg:$0x3] =	wrdreg s5  }
0xaa: {  	[dreg:$0x4] =	wrdreg $0xC0  }
0xab: {  	_ =	task [dreg:s7], $0x5FFFF  }
0xac: {  	[dreg:$0x1] =	wrdreg $0xFFFFFFFF  }
0xad: {  	[dreg:$0x0] =	wrdreg $0x60  }
0xae: {  	[dreg:$0x2] =	wrdreg s24  }
0xaf: {  	[dreg:$0x3] =	wrdreg s2  }
0xb0: {  	[dreg:$0x4] =	wrdreg $0x9  }
0xb1: {  	_ =	task.clear_ibuf [dreg:s7], $0x5FFFF;
	_ =	strace $0x90000046  }
0xb2: {  	s29 =	simm.s32 $0x9;
	_ =	strace $0x80000048  }
0xb3: {  	_ =	swait.ge [sflag:s29], $0x1  }
0xb4: {  	[sflag:s29] =	ssyncadd.s32 $0xFFFFFFFF  }
0xb5: {  	_ =	strace $0x90000048  }
0xb6: {  	_ =	sfence  }
0xb7: {  	s30 =	sld [smem:$0x0];
	_ =	sdelay $0x2  }
0xb8: {  	s31 =	sshll.u32 s1, $0xD;
	s1 =	sshrl.u32 s1, $0x2  }
0xb9: {  	s3 =	sand.u32 $0x4000, s31;
	s1 =	sadd.s32 s1, s30  }
0xba: {  	s0 =	sor.u32 s3, s0;
	s1 =	sshll.u32 s1, $0x11  }
0xbb: {  	s0 =	sor.u32 s1, s0  }
0xbc: {  	s0 =	sadd.s32 $0x8F2B, s0  }
0xbd: {  	[sflag:s0] =	ssyncadd.remote.s32 $0x1  }
0xbe: {  	_ =	sfence.sel $0xFFFF  }
0xbf: {  	[dreg:$0x0] =	wrdreg $0xFFFFFFFF;
	(pc) =	sbr.abs _section_cstart, $3  }
0xc0: {  	[dreg:$0x1] =	wrdreg $0xFFFFFFFF  }
0xc1: {  	_ =	task.clear_ibuf [dreg:s7], $0x2FFFF;
	_ =	strace $0x9FFFFFFF  }
0xc2: {  	(tm) =	ssettm $0x7FFFFFFF  }
0xc3: {  	_ =	shalt  }
tec
execute0_lowered:
.L_overlay_start_1:
0x0: {  	(tag) =	ssettag $0x1  }
0x1: {  	s1 =	srdreg.scid;
	s0 =	stileid.u32  }
0x2: {  	s10 =	rddreg [dreg:$0x0];
	s24 =	sand.u32 $0x1, s1;
	s30 =	sshll.u32 s0, $0x1  }
0x3: {  	s3 =	rddreg [dreg:$0x1];
	s14 =	sor.u32 s24, s30  }
0x4: {  	s2 =	simm.s32 $0x0;
	s1 =	rddreg [dreg:$0x2];
	s4 =	smul.u32 $0x140, s14  }
0x5: {  	[smem:$0x7FF] =	sst s2  }
0x6: {  	_ =	strace $0x80000047;
	s4 =	sadd.s32 s3, s4;
	s3 =	simm.s32 $0x3  }
0x7: {  	[tilespmem:s2], [sflag:$0x3] =	stream.linear.gather [hbm4b:s4+s2], $0xA00, $0x38;
	[tilespmem:$0x14A00] =	vst v63  }
0x8: {  	_ =	swait.ge [sflag:s3], $0xA00  }
0x9: {  	s6 =	simm.s32 $0x140;
	[sflag:s3] =	ssyncset.done $0x0  }
0xa: {  	s7 =	simm.s32 $0xA00;
	s5 =	sadd.s32 $0xE00, s10;
	[sflag:s3] =	ssyncadd.s32 $0xFFFFF600  }
0xb: {  	[tilespmem:s7], [sflag:$0x1] =	stream.indirect.gather [hbm4b:s5+s6], $0x80, s2, s6, $0xb8;
	[tilespmem:$0x14A00] =	vst v63  }
0xc: {  	s8 =	simm.s32 $0xAA00;
	s9 =	simm.s32 $0x1  }
0xd: {  	[tilespmem:s8], [sflag:$0x2] =	stream.indirect.gather [hbm4b:s5+s6], $0x80, s6, s6, $0xb8;
	[tilespmem:$0x14A00] =	vst v63  }
0xe: {  	s11 =	smul.u32 $0xA000, s14;
	_ =	swait.ge [sflag:s9], $0xA000  }
0xf: {  	s15 =	sadd.s32 $0xF43200, s10;
	[sflag:s9] =	ssyncset.done $0x0  }
0x10: {  	s10 =	sadd.s32 s15, s11;
	[sflag:s9] =	ssyncadd.s32 $0xFFFF6000  }
0x11: {  	[hbm4b:s10+s2] =	stream.linear.scatter [tilespmem:s7], [sflag:$0x3], $0xA000, $0x38;
	[tilespmem:$0x14A00] =	vst v63  }
0x12: {  	_ =	swait.ge [sflag:s3], $0xA000  }
0x13: {  	[sflag:s3] =	ssyncset.done $0x0  }
0x14: {  	s12 =	simm.s32 $0x2;
	s11 =	simm.s32 $0x280;
	[sflag:s3] =	ssyncadd.s32 $0xFFFF6000  }
0x15: {  	[tilespmem:s7], [sflag:$0x1] =	stream.indirect.gather [hbm4b:s5+s6], $0x80, s11, s6, $0xb8;
	[tilespmem:$0x14A00] =	vst v63  }
0x16: {  	_ =	swait.ge [sflag:s12], $0xA000  }
0x17: {  	[sflag:s12] =	ssyncset.done $0x0  }
0x18: {  	s13 =	sadd.s32 $0x1400, s10;
	[sflag:s12] =	ssyncadd.s32 $0xFFFF6000  }
0x19: {  	[hbm4b:s13+s2] =	stream.linear.scatter [tilespmem:s8], [sflag:$0x3], $0xA000, $0x38;
	[tilespmem:$0x14A00] =	vst v63  }
0x1a: {  	_ =	swait.ge [sflag:s3], $0xA000  }
0x1b: {  	[sflag:s3] =	ssyncset.done $0x0  }
0x1c: {  	s16 =	smul.u32 $0x50000, s14;
	s14 =	simm.s32 $0x3C0;
	[sflag:s3] =	ssyncadd.s32 $0xFFFF6000  }
0x1d: {  	[tilespmem:s8], [sflag:$0x2] =	stream.indirect.gather [hbm4b:s5+s6], $0x80, s14, s6, $0xb8;
	[tilespmem:$0x14A00] =	vst v63  }
0x1e: {  	s16 =	sshrl.u32 s16, $0x3;
	_ =	swait.ge [sflag:s9], $0xA000  }
0x1f: {  	s25 =	sadd.s32 s15, s16;
	[sflag:s9] =	ssyncset.done $0x0  }
0x20: {  	s15 =	sadd.s32 $0x2800, s25;
	[sflag:s9] =	ssyncadd.s32 $0xFFFF6000  }
0x21: {  	[hbm4b:s15+s2] =	stream.linear.scatter [tilespmem:s7], [sflag:$0x3], $0xA000, $0x38;
	[tilespmem:$0x14A00] =	vst v63  }
0x22: {  	_ =	swait.ge [sflag:s3], $0xA000  }
0x23: {  	[sflag:s3] =	ssyncset.done $0x0  }
0x24: {  	s16 =	simm.s32 $0x500;
	[sflag:s3] =	ssyncadd.s32 $0xFFFF6000  }
0x25: {  	[tilespmem:s7], [sflag:$0x1] =	stream.indirect.gather [hbm4b:s5+s6], $0x80, s16, s6, $0xb8;
	[tilespmem:$0x14A00] =	vst v63  }
0x26: {  	_ =	swait.ge [sflag:s12], $0xA000  }
0x27: {  	[sflag:s12] =	ssyncset.done $0x0  }
0x28: {  	s17 =	sadd.s32 $0x3C00, s25;
	[sflag:s12] =	ssyncadd.s32 $0xFFFF6000  }
0x29: {  	[hbm4b:s17+s2] =	stream.linear.scatter [tilespmem:s8], [sflag:$0x3], $0xA000, $0x38;
	[tilespmem:$0x14A00] =	vst v63  }
0x2a: {  	_ =	swait.ge [sflag:s3], $0xA000  }
0x2b: {  	[sflag:s3] =	ssyncset.done $0x0  }
0x2c: {  	s18 =	simm.s32 $0x640;
	[sflag:s3] =	ssyncadd.s32 $0xFFFF6000  }
0x2d: {  	[tilespmem:s8], [sflag:$0x2] =	stream.indirect.gather [hbm4b:s5+s6], $0x80, s18, s6, $0xb8;
	[tilespmem:$0x14A00] =	vst v63  }
0x2e: {  	_ =	swait.ge [sflag:s9], $0xA000  }
0x2f: {  	[sflag:s9] =	ssyncset.done $0x0  }
0x30: {  	s19 =	sadd.s32 $0x5000, s25;
	[sflag:s9] =	ssyncadd.s32 $0xFFFF6000  }
0x31: {  	[hbm4b:s19+s2] =	stream.linear.scatter [tilespmem:s7], [sflag:$0x3], $0xA000, $0x38;
	[tilespmem:$0x14A00] =	vst v63  }
0x32: {  	_ =	swait.ge [sflag:s3], $0xA000  }
0x33: {  	[sflag:s3] =	ssyncset.done $0x0  }
0x34: {  	s20 =	simm.s32 $0x780;
	[sflag:s3] =	ssyncadd.s32 $0xFFFF6000  }
0x35: {  	[tilespmem:s7], [sflag:$0x1] =	stream.indirect.gather [hbm4b:s5+s6], $0x80, s20, s6, $0xb8;
	[tilespmem:$0x14A00] =	vst v63  }
0x36: {  	_ =	swait.ge [sflag:s12], $0xA000  }
0x37: {  	[sflag:s12] =	ssyncset.done $0x0  }
0x38: {  	s21 =	sadd.s32 $0x6400, s25;
	[sflag:s12] =	ssyncadd.s32 $0xFFFF6000  }
0x39: {  	[hbm4b:s21+s2] =	stream.linear.scatter [tilespmem:s8], [sflag:$0x3], $0xA000, $0x38;
	[tilespmem:$0x14A00] =	vst v63  }
0x3a: {  	_ =	swait.ge [sflag:s3], $0xA000  }
0x3b: {  	[sflag:s3] =	ssyncset.done $0x0  }
0x3c: {  	s22 =	simm.s32 $0x8C0;
	[sflag:s3] =	ssyncadd.s32 $0xFFFF6000  }
0x3d: {  	[tilespmem:s8], [sflag:$0x2] =	stream.indirect.gather [hbm4b:s5+s6], $0x80, s22, s6, $0xb8;
	[tilespmem:$0x14A00] =	vst v63  }
0x3e: {  	_ =	swait.ge [sflag:s9], $0xA000  }
0x3f: {  	[sflag:s9] =	ssyncset.done $0x0  }
0x40: {  	s24 =	ssub.s32 $0x2, s24;
	s23 =	sadd.s32 $0x7800, s25;
	[sflag:s9] =	ssyncadd.s32 $0xFFFF6000  }
0x41: {  	[hbm4b:s23+s2] =	stream.linear.scatter [tilespmem:s7], [sflag:$0x3], $0xA000, $0x38;
	[tilespmem:$0x14A00] =	vst v63  }
0x42: {  	s26 =	sshrl.u32 s24, $0x1;
	_ =	swait.ge [sflag:s3], $0xA000  }
0x43: {  	s26 =	ssub.s32 s24, s26;
	[sflag:s3] =	ssyncset.done $0x0  }
0x44: {  	s31 =	smax.u32 s26, $0x1;
	[sflag:s3] =	ssyncadd.s32 $0xFFFF6000  }
0x45: {  	p0 =	sne.s32 s31, $0x1;
	_ =	swait.ge [sflag:s12], $0xA000  }
.Ltmp0:
0x46: {  	[sflag:s12] =	ssyncset.done $0x0;
	(pc) =	sbr.rel @!p0 .LBB2_2-.Ltmp0, $4  }
0x47: {  	s24 =	sadd.s32 $0x8C00, s25;
	[sflag:s12] =	ssyncadd.s32 $0xFFFF6000  }
0x48: {  	[hbm4b:s24+s2] =	stream.linear.scatter [tilespmem:s8], [sflag:$0x3], $0xA000, $0x38;
	[tilespmem:$0x14A00] =	vst v63  }
0x49: {  	_ =	swait.ge [sflag:s3], $0xA000  }
0x4a: {  	s25 =	sadd.s32 $0xFFFFFFFF, s31;
	[sflag:s3] =	ssyncset.done $0x0  }
.LBB2_1:
0x4b: {  	p0 =	sne.s32 s25, $0x1;
	s25 =	sadd.s32 $0xFFFFFFFF, s25;
	[sflag:s3] =	ssyncadd.s32 $0xFFFF6000  }
0x4c: {  	[tilespmem:s2], [sflag:$0x3] =	stream.linear.gather [hbm4b:s4+s2], $0xA00, $0x38;
	[tilespmem:$0x14A00] =	vst v63  }
0x4d: {  	_ =	swait.ge [sflag:s3], $0xA00  }
0x4e: {  	[sflag:s3] =	ssyncset.done $0x0  }
0x4f: {  	[sflag:s3] =	ssyncadd.s32 $0xFFFFF600  }
0x50: {  	[tilespmem:s7], [sflag:$0x1] =	stream.indirect.gather [hbm4b:s5+s6], $0x80, s2, s6, $0xb8;
	[tilespmem:$0x14A00] =	vst v63  }
0x51: {  	_ = 	snop  }
0x52: {  	[tilespmem:s8], [sflag:$0x2] =	stream.indirect.gather [hbm4b:s5+s6], $0x80, s6, s6, $0xb8;
	[tilespmem:$0x14A00] =	vst v63  }
0x53: {  	_ =	swait.ge [sflag:s9], $0xA000  }
0x54: {  	[sflag:s9] =	ssyncset.done $0x0  }
0x55: {  	[sflag:s9] =	ssyncadd.s32 $0xFFFF6000  }
0x56: {  	[hbm4b:s10+s2] =	stream.linear.scatter [tilespmem:s7], [sflag:$0x3], $0xA000, $0x38;
	[tilespmem:$0x14A00] =	vst v63  }
0x57: {  	_ =	swait.ge [sflag:s3], $0xA000  }
0x58: {  	[sflag:s3] =	ssyncset.done $0x0  }
0x59: {  	[sflag:s3] =	ssyncadd.s32 $0xFFFF6000  }
0x5a: {  	[tilespmem:s7], [sflag:$0x1] =	stream.indirect.gather [hbm4b:s5+s6], $0x80, s11, s6, $0xb8;
	[tilespmem:$0x14A00] =	vst v63  }
0x5b: {  	_ =	swait.ge [sflag:s12], $0xA000  }
0x5c: {  	[sflag:s12] =	ssyncset.done $0x0  }
0x5d: {  	[sflag:s12] =	ssyncadd.s32 $0xFFFF6000  }
0x5e: {  	[hbm4b:s13+s2] =	stream.linear.scatter [tilespmem:s8], [sflag:$0x3], $0xA000, $0x38;
	[tilespmem:$0x14A00] =	vst v63  }
0x5f: {  	_ =	swait.ge [sflag:s3], $0xA000  }
0x60: {  	[sflag:s3] =	ssyncset.done $0x0  }
0x61: {  	[sflag:s3] =	ssyncadd.s32 $0xFFFF6000  }
0x62: {  	[tilespmem:s8], [sflag:$0x2] =	stream.indirect.gather [hbm4b:s5+s6], $0x80, s14, s6, $0xb8;
	[tilespmem:$0x14A00] =	vst v63  }
0x63: {  	_ =	swait.ge [sflag:s9], $0xA000  }
0x64: {  	[sflag:s9] =	ssyncset.done $0x0  }
0x65: {  	[sflag:s9] =	ssyncadd.s32 $0xFFFF6000  }
0x66: {  	[hbm4b:s15+s2] =	stream.linear.scatter [tilespmem:s7], [sflag:$0x3], $0xA000, $0x38;
	[tilespmem:$0x14A00] =	vst v63  }
0x67: {  	_ =	swait.ge [sflag:s3], $0xA000  }
0x68: {  	[sflag:s3] =	ssyncset.done $0x0  }
0x69: {  	[sflag:s3] =	ssyncadd.s32 $0xFFFF6000  }
0x6a: {  	[tilespmem:s7], [sflag:$0x1] =	stream.indirect.gather [hbm4b:s5+s6], $0x80, s16, s6, $0xb8;
	[tilespmem:$0x14A00] =	vst v63  }
0x6b: {  	_ =	swait.ge [sflag:s12], $0xA000  }
0x6c: {  	[sflag:s12] =	ssyncset.done $0x0  }
0x6d: {  	[sflag:s12] =	ssyncadd.s32 $0xFFFF6000  }
0x6e: {  	[hbm4b:s17+s2] =	stream.linear.scatter [tilespmem:s8], [sflag:$0x3], $0xA000, $0x38;
	[tilespmem:$0x14A00] =	vst v63  }
0x6f: {  	_ =	swait.ge [sflag:s3], $0xA000  }
0x70: {  	[sflag:s3] =	ssyncset.done $0x0  }
0x71: {  	[sflag:s3] =	ssyncadd.s32 $0xFFFF6000  }
0x72: {  	[tilespmem:s8], [sflag:$0x2] =	stream.indirect.gather [hbm4b:s5+s6], $0x80, s18, s6, $0xb8;
	[tilespmem:$0x14A00] =	vst v63  }
0x73: {  	_ =	swait.ge [sflag:s9], $0xA000  }
0x74: {  	[sflag:s9] =	ssyncset.done $0x0  }
0x75: {  	[sflag:s9] =	ssyncadd.s32 $0xFFFF6000  }
0x76: {  	[hbm4b:s19+s2] =	stream.linear.scatter [tilespmem:s7], [sflag:$0x3], $0xA000, $0x38;
	[tilespmem:$0x14A00] =	vst v63  }
0x77: {  	_ =	swait.ge [sflag:s3], $0xA000  }
0x78: {  	[sflag:s3] =	ssyncset.done $0x0  }
0x79: {  	[sflag:s3] =	ssyncadd.s32 $0xFFFF6000  }
0x7a: {  	[tilespmem:s7], [sflag:$0x1] =	stream.indirect.gather [hbm4b:s5+s6], $0x80, s20, s6, $0xb8;
	[tilespmem:$0x14A00] =	vst v63  }
0x7b: {  	_ =	swait.ge [sflag:s12], $0xA000  }
0x7c: {  	[sflag:s12] =	ssyncset.done $0x0  }
0x7d: {  	[sflag:s12] =	ssyncadd.s32 $0xFFFF6000  }
0x7e: {  	[hbm4b:s21+s2] =	stream.linear.scatter [tilespmem:s8], [sflag:$0x3], $0xA000, $0x38;
	[tilespmem:$0x14A00] =	vst v63  }
0x7f: {  	_ =	swait.ge [sflag:s3], $0xA000  }
0x80: {  	[sflag:s3] =	ssyncset.done $0x0  }
0x81: {  	[sflag:s3] =	ssyncadd.s32 $0xFFFF6000  }
0x82: {  	[tilespmem:s8], [sflag:$0x2] =	stream.indirect.gather [hbm4b:s5+s6], $0x80, s22, s6, $0xb8;
	[tilespmem:$0x14A00] =	vst v63  }
0x83: {  	_ =	swait.ge [sflag:s9], $0xA000  }
0x84: {  	[sflag:s9] =	ssyncset.done $0x0  }
0x85: {  	[sflag:s9] =	ssyncadd.s32 $0xFFFF6000  }
0x86: {  	[hbm4b:s23+s2] =	stream.linear.scatter [tilespmem:s7], [sflag:$0x3], $0xA000, $0x38;
	[tilespmem:$0x14A00] =	vst v63  }
0x87: {  	_ =	swait.ge [sflag:s3], $0xA000  }
0x88: {  	[sflag:s3] =	ssyncset.done $0x0  }
0x89: {  	[sflag:s3] =	ssyncadd.s32 $0xFFFF6000  }
0x8a: {  	_ =	swait.ge [sflag:s12], $0xA000  }
.Ltmp1:
0x8b: {  	[sflag:s12] =	ssyncset.done $0x0;
	(pc) =	sbr.rel @p0 .LBB2_1-.Ltmp1, $4  }
0x8c: {  	[sflag:s12] =	ssyncadd.s32 $0xFFFF6000  }
0x8d: {  	[hbm4b:s24+s2] =	stream.linear.scatter [tilespmem:s8], [sflag:$0x3], $0xA000, $0x38;
	[tilespmem:$0x14A00] =	vst v63  }
0x8e: {  	_ =	swait.ge [sflag:s3], $0xA000  }
0x8f: {  	[sflag:s3] =	ssyncset.done $0x0  }
.LBB2_2:
0x90: {  	[sflag:s3] =	ssyncadd.s32 $0xFFFF6000  }
0x91: {  	_ =	sfence.sel $0x180000  }
0x92: {  	[bflag:$0x0] =	sbarrier.arrive $0xFFFF  }
0x93: {  	p0 =	sne.s32 s0, $0x0;
	_ =	strace $0x90000047  }
0x94: {  	s0 =	sadd.s32 @!p0 $0x100000, s1;
	[bflag:$0x2] =	sbarrier.arrive $0xFFFF  }
0x95: {  	[sflag:s0] =	ssyncadd.tile.s32 @!p0 $0x1;
	_ =	shalt  }
.Lfunc_end2:
_tile_overlayer_lowered:
.L_overlay_start_2:
0x96: {  	(tag) =	ssettag $0x2  }
0x97: {  	s0 =	rddreg [dreg:$0x0];
	s2 =	stileid.u32  }
0x98: {  	s1 =	rddreg [dreg:$0x1];
	p0 =	sne.s32 s2, $0x0  }
0x99: {  	s3 =	rddreg [dreg:$0x2];
	[bflag:$0x3] =	sbarrier.arrive $0xFFFF;
	s2 =	simm.s32 @!p0 $0x1C03  }
0x9a: {  	[timem:s3], [sflag:s2] =	dma.local @!p0 [hbm:s0], s1  }
0x9b: {  	s0 =	simm.s32 @!p0 $0x3  }
0x9c: {  	_ =	swait.ge @!p0 [sflag:s0], s1  }
0x9d: {  	s1 =	ssub.s32 @!p0 $0x0, s1;
	[sflag:s0] =	ssyncset.done @!p0 $0x0  }
0x9e: {  	[sflag:s0] =	ssyncadd.s32 @!p0 s1  }
0x9f: {  	[bflag:$0x3] =	sbarrier.arrive $0xFFFF  }
0xa0: {  	_ =	shalt  }

</sc_bundles>
